<compile_context>
chip_gen: v7x
topology: tpu7x:2x2x1
jax: 0.10.2.dev20260603
libtpu: 0.0.44.dev20260713+nightly
codegen_flags: <defaults>
</compile_context>

<pallas_src>
import functools

import jax
import jax.numpy as jnp
from jax import lax
from jax.experimental import pallas as pl
from jax.experimental.pallas import tpu as pltpu
from jax.experimental.pallas import tpu_sc as plsc

N = 16384
K = 8192
D = 64
NT = 512
NB = N // NT

NC = 2
NS = 16
NW = NC * NS
ROWS_PER_W = N // NW
GCHUNK = 128
NG = ROWS_PER_W // GCHUNK


def _argmin_body(zsq_ref, csq_ref, z_ref, cbt_ref, idx_ref, loss_ref, acc_ref):
    step = pl.program_id(0)
    z = z_ref[...]
    cbt = cbt_ref[...]
    mm = lax.dot_general(z, cbt, (((1,), (0,)), ((), ())),
                         preferred_element_type=jnp.float32)
    d2 = (zsq_ref[...] + csq_ref[...]) + mm
    dist = d2 * lax.rsqrt(d2)
    h = K // 2
    d0 = dist[:, :h]
    d1 = dist[:, h:]
    mn0 = jnp.min(d0, axis=1, keepdims=True)
    mn1 = jnp.min(d1, axis=1, keepdims=True)
    kiota = lax.broadcasted_iota(jnp.int32, (NT, h), 1)
    i0 = jnp.min(jnp.where(d0 == mn0, kiota, K), axis=1)
    i1 = jnp.min(jnp.where(d1 == mn1, kiota, K), axis=1) + h
    acc0 = mn0[:, 0].astype(jnp.bfloat16).astype(jnp.float32)
    take = mn1[:, 0] < acc0
    idx = jnp.where(take, i1, i0)
    idx_ref[...] = idx

    vpick = jnp.where(take, mn1[:, 0], mn0[:, 0])
    part = jnp.sum(vpick * vpick)

    @pl.when(step == 0)
    def _():
        acc_ref[0] = 0.0

    acc_ref[0] += part

    @pl.when(step == NB - 1)
    def _():
        loss_ref[...] = jnp.full((1, 1), acc_ref[0] / float(N * D), jnp.float32)


_argmin_call = pl.pallas_call(
    _argmin_body,
    grid=(NB,),
    in_specs=[
        pl.BlockSpec((NT, 1), lambda i: (i, 0)),
        pl.BlockSpec((1, K), lambda i: (0, 0)),
        pl.BlockSpec((NT, D), lambda i: (i, 0)),
        pl.BlockSpec((D, K), lambda i: (0, 0)),
    ],
    out_specs=[
        pl.BlockSpec((NT,), lambda i: (i,)),
        pl.BlockSpec((1, 1), lambda i: (0, 0)),
    ],
    out_shape=[
        jax.ShapeDtypeStruct((N,), jnp.int32),
        jax.ShapeDtypeStruct((1, 1), jnp.float32),
    ],
    scratch_shapes=[pltpu.SMEM((1,), jnp.float32)],
)


def _gather_body(cb_hbm, idx_hbm, out_hbm, idx_v, rows_v, sem):
    wid = lax.axis_index("s") * NC + lax.axis_index("c")
    base = wid * ROWS_PER_W
    pltpu.sync_copy(idx_hbm.at[pl.ds(wid * NG, NG)], idx_v)
    copies = [
        pltpu.async_copy(cb_hbm.at[idx_v.at[j]],
                         rows_v.at[pl.ds(j * GCHUNK, GCHUNK)], sem)
        for j in range(NG)
    ]
    for c in copies:
        c.wait()
    pltpu.sync_copy(rows_v, out_hbm.at[pl.ds(base, ROWS_PER_W)])


@functools.cache
def _gather_call():
    return pl.kernel(
        _gather_body,
        out_type=jax.ShapeDtypeStruct((N, D), jnp.float32),
        mesh=plsc.VectorSubcoreMesh(core_axis_name="c", subcore_axis_name="s"),
        scratch_types=[
            pltpu.VMEM((NG, GCHUNK), jnp.int32),
            pltpu.VMEM((ROWS_PER_W, D), jnp.float32),
            pltpu.SemaphoreType.DMA,
        ],
        compiler_params=pltpu.CompilerParams(use_tc_tiling_on_sc=False),
    )


def kernel(z_feats, codebook):
    zsq = jnp.sum(z_feats * z_feats, axis=1, keepdims=True)
    csq = jnp.sum(codebook * codebook, axis=1)[None, :]
    idx, loss = _argmin_call(zsq, csq, z_feats, codebook.T * (-2.0))
    quantized = _gather_call()(codebook, idx.reshape(NW * NG, GCHUNK))
    loss = loss.reshape(())
    return quantized, loss, loss, idx

# --- scband reference (transcript-rebuilt; emitter-appended) ---
"""Pipeline reference for scband-direct3-ds2-vqvae-29145648071069 (READ-ONLY COPY).

The authoritative reference and input builder live on the scoring server;
editing this copy changes nothing except your own understanding.
"""

import jax, jax.numpy as jnp
import numpy as np

NUM_EMBEDDINGS = 8192
EMBEDDING_DIM = 64
N_VOXELS = 16384
BETA = 0.25

def setup_inputs(seed: int = 0) -> dict:
    key = jax.random.key(seed)
    k1, k2 = jax.random.split(key)
    z_feats = jax.random.normal(k1, (N_VOXELS, EMBEDDING_DIM), dtype=jnp.float32)
    # nn.Embedding initialized uniform(-1/num_embeddings, 1/num_embeddings)
    codebook = jax.random.uniform(
        k2, (NUM_EMBEDDINGS, EMBEDDING_DIM), dtype=jnp.float32,
        minval=-1.0 / NUM_EMBEDDINGS, maxval=1.0 / NUM_EMBEDDINGS)
    return {"z_feats": z_feats, "codebook": codebook}

def reference(z_feats, codebook):
    # SparseVectorQuantizer.forward on the feats of the SparseTensor
    # torch.cdist(z, codebook): pairwise Euclidean distances [N, K]
    z_sq = jnp.sum(z_feats * z_feats, axis=1, keepdims=True)        # [N, 1]
    c_sq = jnp.sum(codebook * codebook, axis=1)[None, :]            # [1, K]
    d2 = z_sq + c_sq - 2.0 * (z_feats @ codebook.T)                 # [N, K]
    distances = jnp.sqrt(jnp.clip(d2, 0.0, None))
    encoding_indices = jnp.argmin(distances, axis=1)                # [N]
    # embedding lookup (gather)
    quantized_feats = jnp.take(codebook, encoding_indices, axis=0)  # [N, D]
    commitment_loss = jnp.mean((z_feats - jax.lax.stop_gradient(quantized_feats)) ** 2)
    vq_loss = jnp.mean((quantized_feats - jax.lax.stop_gradient(z_feats)) ** 2)
    # straight-through estimator
    quantized_st = z_feats + jax.lax.stop_gradient(quantized_feats - z_feats)
    return quantized_st, vq_loss, commitment_loss, encoding_indices

if __name__ == "__main__":
    import jax
    _d = setup_inputs()
    print(jax.jit(kernel)(*tuple(_d.values())))

</pallas_src>

<mosaic_0001>
#map = affine_map<(d0, d1) -> (0, 0)>
module attributes {stable_mosaic.version = 14 : i64} {
  func.func @_gather_body(%arg0: i32, %arg1: i32, %arg2: memref<8192x64xf32, #tpu.memory_space<hbm>>, %arg3: memref<128x128xi32, #tpu.memory_space<hbm>>, %arg4: memref<16384x64xf32, #tpu.memory_space<hbm>>, %arg5: memref<4x128xi32, #tpu.memory_space<vmem>>, %arg6: memref<512x64xf32, #tpu.memory_space<vmem>>, %arg7: memref<!tpu.dma_semaphore, #tpu.memory_space<semaphore_mem>>) attributes {dimension_semantics = [#tpu.dimension_semantics<core_parallel>, #tpu.dimension_semantics<subcore_parallel>], iteration_bounds = array<i64: 2, 16>, scalar_prefetch = 0 : i64, scratch_operands = 3 : i64, tpu.core_type = #tpu.core_type<sc_vector_subcore>, window_params = [{transform_indices = #map}, {transform_indices = #map}, {transform_indices = #map}]} {
    %mul3A = arith.constant 2 : i32
    %mul3A_0 = arith.muli %arg1, %mul3A : i32
    %add3A = arith.addi %mul3A_0, %arg0 : i32
    %mul3A_1 = arith.constant 512 : i32
    %mul3A_2 = arith.muli %add3A, %mul3A_1 : i32
    %mul3A_3 = arith.constant 4 : i32
    %mul3A_4 = arith.muli %add3A, %mul3A_3 : i32
    "tpu.region"() ({
      %run_scoped3A = tpu.sem_alloc : memref<!tpu.dma_semaphore, #tpu.memory_space<semaphore_mem>>
      %dma_start3A_83 = arith.constant 0 : i32
      %dma_start3A_84 = tpu.memref_slice %arg3[%mul3A_4, %dma_start3A_83] : memref<128x128xi32, #tpu.memory_space<hbm>> -> memref<4x128xi32, #tpu.memory_space<hbm>>
      %dma_start3A_85 = arith.constant 0 : i32
      %dma_start3A_86 = tpu.memref_slice %arg3[%mul3A_4, %dma_start3A_85] : memref<128x128xi32, #tpu.memory_space<hbm>> -> memref<4x128xi32, #tpu.memory_space<hbm>>
      tpu.enqueue_dma source(%dma_start3A_86 : memref<4x128xi32, #tpu.memory_space<hbm>>) target(%arg5 : memref<4x128xi32, #tpu.memory_space<vmem>>) target_semaphore(%run_scoped3A : memref<!tpu.dma_semaphore, #tpu.memory_space<semaphore_mem>>)
      %dma_wait3A_87 = arith.constant 0 : i32
      %dma_wait3A_88 = tpu.memref_slice %arg3[%mul3A_4, %dma_wait3A_87] : memref<128x128xi32, #tpu.memory_space<hbm>> -> memref<4x128xi32, #tpu.memory_space<hbm>>
      %dma_wait3A_89 = arith.constant 0 : i32
      %dma_wait3A_90 = tpu.memref_slice %arg3[%mul3A_4, %dma_wait3A_89] : memref<128x128xi32, #tpu.memory_space<hbm>> -> memref<4x128xi32, #tpu.memory_space<hbm>>
      tpu.wait_dma2 semaphore(%run_scoped3A : memref<!tpu.dma_semaphore, #tpu.memory_space<semaphore_mem>>) src(%dma_wait3A_90 : memref<4x128xi32, #tpu.memory_space<hbm>>) dst(%arg5 : memref<4x128xi32, #tpu.memory_space<vmem>>)
      tpu.yield
    }) : () -> ()
    %dma_start3A = arith.constant 0 : i32
    %dma_start3A_5 = arith.constant 0 : i32
    %dma_start3A_6 = arith.constant 0 : i32
    %dma_start3A_7 = tpu.memref_slice %arg6[%dma_start3A_5, %dma_start3A_6] : memref<512x64xf32, #tpu.memory_space<vmem>> -> memref<128x64xf32, #tpu.memory_space<vmem>>
    %dma_start3A_8 = arith.constant 0 : i32
    %dma_start3A_9 = tpu.memref_slice %arg5[%dma_start3A, %dma_start3A_8] : memref<4x128xi32, #tpu.memory_space<vmem>> -> memref<1x128xi32, #tpu.memory_space<vmem>>
    %dma_start3A_10 = tpu.memref_squeeze %dma_start3A_9 : memref<1x128xi32, #tpu.memory_space<vmem>> -> memref<128xi32, #tpu.memory_space<vmem>>
    %dma_start3A_11 = arith.constant 0 : i32
    %dma_start3A_12 = arith.constant 0 : i32
    %dma_start3A_13 = tpu.memref_slice %arg2[%dma_start3A_11, %dma_start3A_12] : memref<8192x64xf32, #tpu.memory_space<hbm>> -> memref<8192x64xf32, #tpu.memory_space<hbm>>
    tpu.enqueue_indirect_dma source(%dma_start3A_13 : memref<8192x64xf32, #tpu.memory_space<hbm>>) target(%dma_start3A_7 : memref<128x64xf32, #tpu.memory_space<vmem>>) offsets(%dma_start3A_10 : memref<128xi32, #tpu.memory_space<vmem>>) semaphore(%arg7 : memref<!tpu.dma_semaphore, #tpu.memory_space<semaphore_mem>>)
    %dma_start3A_14 = arith.constant 1 : i32
    %dma_start3A_15 = arith.constant 128 : i32
    %dma_start3A_16 = arith.constant 0 : i32
    %dma_start3A_17 = tpu.memref_slice %arg6[%dma_start3A_15, %dma_start3A_16] : memref<512x64xf32, #tpu.memory_space<vmem>> -> memref<128x64xf32, #tpu.memory_space<vmem>>
    %dma_start3A_18 = arith.constant 0 : i32
    %dma_start3A_19 = tpu.memref_slice %arg5[%dma_start3A_14, %dma_start3A_18] : memref<4x128xi32, #tpu.memory_space<vmem>> -> memref<1x128xi32, #tpu.memory_space<vmem>>
    %dma_start3A_20 = tpu.memref_squeeze %dma_start3A_19 : memref<1x128xi32, #tpu.memory_space<vmem>> -> memref<128xi32, #tpu.memory_space<vmem>>
    %dma_start3A_21 = arith.constant 0 : i32
    %dma_start3A_22 = arith.constant 0 : i32
    %dma_start3A_23 = tpu.memref_slice %arg2[%dma_start3A_21, %dma_start3A_22] : memref<8192x64xf32, #tpu.memory_space<hbm>> -> memref<8192x64xf32, #tpu.memory_space<hbm>>
    tpu.enqueue_indirect_dma source(%dma_start3A_23 : memref<8192x64xf32, #tpu.memory_space<hbm>>) target(%dma_start3A_17 : memref<128x64xf32, #tpu.memory_space<vmem>>) offsets(%dma_start3A_20 : memref<128xi32, #tpu.memory_space<vmem>>) semaphore(%arg7 : memref<!tpu.dma_semaphore, #tpu.memory_space<semaphore_mem>>)
    %dma_start3A_24 = arith.constant 2 : i32
    %dma_start3A_25 = arith.constant 256 : i32
    %dma_start3A_26 = arith.constant 0 : i32
    %dma_start3A_27 = tpu.memref_slice %arg6[%dma_start3A_25, %dma_start3A_26] : memref<512x64xf32, #tpu.memory_space<vmem>> -> memref<128x64xf32, #tpu.memory_space<vmem>>
    %dma_start3A_28 = arith.constant 0 : i32
    %dma_start3A_29 = tpu.memref_slice %arg5[%dma_start3A_24, %dma_start3A_28] : memref<4x128xi32, #tpu.memory_space<vmem>> -> memref<1x128xi32, #tpu.memory_space<vmem>>
    %dma_start3A_30 = tpu.memref_squeeze %dma_start3A_29 : memref<1x128xi32, #tpu.memory_space<vmem>> -> memref<128xi32, #tpu.memory_space<vmem>>
    %dma_start3A_31 = arith.constant 0 : i32
    %dma_start3A_32 = arith.constant 0 : i32
    %dma_start3A_33 = tpu.memref_slice %arg2[%dma_start3A_31, %dma_start3A_32] : memref<8192x64xf32, #tpu.memory_space<hbm>> -> memref<8192x64xf32, #tpu.memory_space<hbm>>
    tpu.enqueue_indirect_dma source(%dma_start3A_33 : memref<8192x64xf32, #tpu.memory_space<hbm>>) target(%dma_start3A_27 : memref<128x64xf32, #tpu.memory_space<vmem>>) offsets(%dma_start3A_30 : memref<128xi32, #tpu.memory_space<vmem>>) semaphore(%arg7 : memref<!tpu.dma_semaphore, #tpu.memory_space<semaphore_mem>>)
    %dma_start3A_34 = arith.constant 3 : i32
    %dma_start3A_35 = arith.constant 384 : i32
    %dma_start3A_36 = arith.constant 0 : i32
    %dma_start3A_37 = tpu.memref_slice %arg6[%dma_start3A_35, %dma_start3A_36] : memref<512x64xf32, #tpu.memory_space<vmem>> -> memref<128x64xf32, #tpu.memory_space<vmem>>
    %dma_start3A_38 = arith.constant 0 : i32
    %dma_start3A_39 = tpu.memref_slice %arg5[%dma_start3A_34, %dma_start3A_38] : memref<4x128xi32, #tpu.memory_space<vmem>> -> memref<1x128xi32, #tpu.memory_space<vmem>>
    %dma_start3A_40 = tpu.memref_squeeze %dma_start3A_39 : memref<1x128xi32, #tpu.memory_space<vmem>> -> memref<128xi32, #tpu.memory_space<vmem>>
    %dma_start3A_41 = arith.constant 0 : i32
    %dma_start3A_42 = arith.constant 0 : i32
    %dma_start3A_43 = tpu.memref_slice %arg2[%dma_start3A_41, %dma_start3A_42] : memref<8192x64xf32, #tpu.memory_space<hbm>> -> memref<8192x64xf32, #tpu.memory_space<hbm>>
    tpu.enqueue_indirect_dma source(%dma_start3A_43 : memref<8192x64xf32, #tpu.memory_space<hbm>>) target(%dma_start3A_37 : memref<128x64xf32, #tpu.memory_space<vmem>>) offsets(%dma_start3A_40 : memref<128xi32, #tpu.memory_space<vmem>>) semaphore(%arg7 : memref<!tpu.dma_semaphore, #tpu.memory_space<semaphore_mem>>)
    %dma_wait3A = arith.constant 0 : i32
    %dma_wait3A_44 = arith.constant 0 : i32
    %dma_wait3A_45 = arith.constant 0 : i32
    %dma_wait3A_46 = tpu.memref_slice %arg6[%dma_wait3A_44, %dma_wait3A_45] : memref<512x64xf32, #tpu.memory_space<vmem>> -> memref<128x64xf32, #tpu.memory_space<vmem>>
    %dma_wait3A_47 = arith.constant 0 : i32
    %dma_wait3A_48 = tpu.memref_slice %arg5[%dma_wait3A, %dma_wait3A_47] : memref<4x128xi32, #tpu.memory_space<vmem>> -> memref<1x128xi32, #tpu.memory_space<vmem>>
    %dma_wait3A_49 = tpu.memref_squeeze %dma_wait3A_48 : memref<1x128xi32, #tpu.memory_space<vmem>> -> memref<128xi32, #tpu.memory_space<vmem>>
    %dma_wait3A_50 = arith.constant 0 : i32
    %dma_wait3A_51 = arith.constant 0 : i32
    %dma_wait3A_52 = tpu.memref_slice %arg2[%dma_wait3A_50, %dma_wait3A_51] : memref<8192x64xf32, #tpu.memory_space<hbm>> -> memref<8192x64xf32, #tpu.memory_space<hbm>>
    tpu.wait_indirect_dma semaphore(%arg7 : memref<!tpu.dma_semaphore, #tpu.memory_space<semaphore_mem>>) src(%dma_wait3A_52 : memref<8192x64xf32, #tpu.memory_space<hbm>>) dst(%dma_wait3A_46 : memref<128x64xf32, #tpu.memory_space<vmem>>)
    %dma_wait3A_53 = arith.constant 1 : i32
    %dma_wait3A_54 = arith.constant 128 : i32
    %dma_wait3A_55 = arith.constant 0 : i32
    %dma_wait3A_56 = tpu.memref_slice %arg6[%dma_wait3A_54, %dma_wait3A_55] : memref<512x64xf32, #tpu.memory_space<vmem>> -> memref<128x64xf32, #tpu.memory_space<vmem>>
    %dma_wait3A_57 = arith.constant 0 : i32
    %dma_wait3A_58 = tpu.memref_slice %arg5[%dma_wait3A_53, %dma_wait3A_57] : memref<4x128xi32, #tpu.memory_space<vmem>> -> memref<1x128xi32, #tpu.memory_space<vmem>>
    %dma_wait3A_59 = tpu.memref_squeeze %dma_wait3A_58 : memref<1x128xi32, #tpu.memory_space<vmem>> -> memref<128xi32, #tpu.memory_space<vmem>>
    %dma_wait3A_60 = arith.constant 0 : i32
    %dma_wait3A_61 = arith.constant 0 : i32
    %dma_wait3A_62 = tpu.memref_slice %arg2[%dma_wait3A_60, %dma_wait3A_61] : memref<8192x64xf32, #tpu.memory_space<hbm>> -> memref<8192x64xf32, #tpu.memory_space<hbm>>
    tpu.wait_indirect_dma semaphore(%arg7 : memref<!tpu.dma_semaphore, #tpu.memory_space<semaphore_mem>>) src(%dma_wait3A_62 : memref<8192x64xf32, #tpu.memory_space<hbm>>) dst(%dma_wait3A_56 : memref<128x64xf32, #tpu.memory_space<vmem>>)
    %dma_wait3A_63 = arith.constant 2 : i32
    %dma_wait3A_64 = arith.constant 256 : i32
    %dma_wait3A_65 = arith.constant 0 : i32
    %dma_wait3A_66 = tpu.memref_slice %arg6[%dma_wait3A_64, %dma_wait3A_65] : memref<512x64xf32, #tpu.memory_space<vmem>> -> memref<128x64xf32, #tpu.memory_space<vmem>>
    %dma_wait3A_67 = arith.constant 0 : i32
    %dma_wait3A_68 = tpu.memref_slice %arg5[%dma_wait3A_63, %dma_wait3A_67] : memref<4x128xi32, #tpu.memory_space<vmem>> -> memref<1x128xi32, #tpu.memory_space<vmem>>
    %dma_wait3A_69 = tpu.memref_squeeze %dma_wait3A_68 : memref<1x128xi32, #tpu.memory_space<vmem>> -> memref<128xi32, #tpu.memory_space<vmem>>
    %dma_wait3A_70 = arith.constant 0 : i32
    %dma_wait3A_71 = arith.constant 0 : i32
    %dma_wait3A_72 = tpu.memref_slice %arg2[%dma_wait3A_70, %dma_wait3A_71] : memref<8192x64xf32, #tpu.memory_space<hbm>> -> memref<8192x64xf32, #tpu.memory_space<hbm>>
    tpu.wait_indirect_dma semaphore(%arg7 : memref<!tpu.dma_semaphore, #tpu.memory_space<semaphore_mem>>) src(%dma_wait3A_72 : memref<8192x64xf32, #tpu.memory_space<hbm>>) dst(%dma_wait3A_66 : memref<128x64xf32, #tpu.memory_space<vmem>>)
    %dma_wait3A_73 = arith.constant 3 : i32
    %dma_wait3A_74 = arith.constant 384 : i32
    %dma_wait3A_75 = arith.constant 0 : i32
    %dma_wait3A_76 = tpu.memref_slice %arg6[%dma_wait3A_74, %dma_wait3A_75] : memref<512x64xf32, #tpu.memory_space<vmem>> -> memref<128x64xf32, #tpu.memory_space<vmem>>
    %dma_wait3A_77 = arith.constant 0 : i32
    %dma_wait3A_78 = tpu.memref_slice %arg5[%dma_wait3A_73, %dma_wait3A_77] : memref<4x128xi32, #tpu.memory_space<vmem>> -> memref<1x128xi32, #tpu.memory_space<vmem>>
    %dma_wait3A_79 = tpu.memref_squeeze %dma_wait3A_78 : memref<1x128xi32, #tpu.memory_space<vmem>> -> memref<128xi32, #tpu.memory_space<vmem>>
    %dma_wait3A_80 = arith.constant 0 : i32
    %dma_wait3A_81 = arith.constant 0 : i32
    %dma_wait3A_82 = tpu.memref_slice %arg2[%dma_wait3A_80, %dma_wait3A_81] : memref<8192x64xf32, #tpu.memory_space<hbm>> -> memref<8192x64xf32, #tpu.memory_space<hbm>>
    tpu.wait_indirect_dma semaphore(%arg7 : memref<!tpu.dma_semaphore, #tpu.memory_space<semaphore_mem>>) src(%dma_wait3A_82 : memref<8192x64xf32, #tpu.memory_space<hbm>>) dst(%dma_wait3A_76 : memref<128x64xf32, #tpu.memory_space<vmem>>)
    "tpu.region"() ({
      %run_scoped3A = tpu.sem_alloc : memref<!tpu.dma_semaphore, #tpu.memory_space<semaphore_mem>>
      %dma_start3A_83 = arith.constant 0 : i32
      %dma_start3A_84 = tpu.memref_slice %arg4[%mul3A_2, %dma_start3A_83] : memref<16384x64xf32, #tpu.memory_space<hbm>> -> memref<512x64xf32, #tpu.memory_space<hbm>>
      %dma_start3A_85 = arith.constant 0 : i32
      %dma_start3A_86 = tpu.memref_slice %arg4[%mul3A_2, %dma_start3A_85] : memref<16384x64xf32, #tpu.memory_space<hbm>> -> memref<512x64xf32, #tpu.memory_space<hbm>>
      tpu.enqueue_dma source(%arg6 : memref<512x64xf32, #tpu.memory_space<vmem>>) target(%dma_start3A_86 : memref<512x64xf32, #tpu.memory_space<hbm>>) target_semaphore(%run_scoped3A : memref<!tpu.dma_semaphore, #tpu.memory_space<semaphore_mem>>)
      %dma_wait3A_87 = arith.constant 0 : i32
      %dma_wait3A_88 = tpu.memref_slice %arg4[%mul3A_2, %dma_wait3A_87] : memref<16384x64xf32, #tpu.memory_space<hbm>> -> memref<512x64xf32, #tpu.memory_space<hbm>>
      %dma_wait3A_89 = arith.constant 0 : i32
      %dma_wait3A_90 = tpu.memref_slice %arg4[%mul3A_2, %dma_wait3A_89] : memref<16384x64xf32, #tpu.memory_space<hbm>> -> memref<512x64xf32, #tpu.memory_space<hbm>>
      tpu.wait_dma2 semaphore(%run_scoped3A : memref<!tpu.dma_semaphore, #tpu.memory_space<semaphore_mem>>) src(%arg6 : memref<512x64xf32, #tpu.memory_space<vmem>>) dst(%dma_wait3A_90 : memref<512x64xf32, #tpu.memory_space<hbm>>)
      tpu.yield
    }) : () -> ()
    return
  }
}

module attributes {stable_mosaic.version = 14 : i64} {
  func.func @_argmin_body(%arg0: i32, %arg1: memref<512x1xf32, #tpu.memory_space<vmem>>, %arg2: memref<1x8192xf32, #tpu.memory_space<vmem>>, %arg3: memref<512x64xf32, #tpu.memory_space<vmem>>, %arg4: memref<64x8192xf32, #tpu.memory_space<vmem>>, %arg5: memref<512xi32, #tpu.memory_space<vmem>>, %arg6: memref<1x1xf32, #tpu.memory_space<vmem>>, %arg7: memref<1xf32, #tpu.memory_space<smem>>) attributes {dimension_semantics = [#tpu.dimension_semantics<arbitrary>], iteration_bounds = array<i64: 32>, scalar_prefetch = 0 : i64, scratch_operands = 1 : i64, tpu.core_type = #tpu.core_type<tc>, window_params = [{transform_indices = @transform_0, window_bounds = array<i64: 512, 1>}, {pipeline_mode = #tpu.pipeline_mode<synchronous>, transform_indices = @transform_1, window_bounds = array<i64: 1, 8192>}, {transform_indices = @transform_2, window_bounds = array<i64: 512, 64>}, {pipeline_mode = #tpu.pipeline_mode<synchronous>, transform_indices = @transform_3, window_bounds = array<i64: 64, 8192>}, {transform_indices = @transform_4, window_bounds = array<i64: 512>}, {pipeline_mode = #tpu.pipeline_mode<synchronous>, transform_indices = @transform_5, window_bounds = array<i64: 1, 1>}]} {
    %get3A = arith.constant 0 : index
    %get3A_0 = arith.constant 0 : index
    %get3A_1 = vector.load %arg3[%get3A, %get3A_0] : memref<512x64xf32, #tpu.memory_space<vmem>>, vector<512x64xf32>
    %get3A_2 = arith.constant 0 : index
    %get3A_3 = arith.constant 0 : index
    %get3A_4 = vector.load %arg4[%get3A_2, %get3A_3] : memref<64x8192xf32, #tpu.memory_space<vmem>>, vector<64x8192xf32>
    %dot_general3A = arith.constant dense<0.000000e+00> : vector<512x8192xf32>
    %dot_general3A_5 = tpu.matmul %get3A_1, %get3A_4, %dot_general3A {dimension_numbers = #tpu.dot_dimension_numbers<[1], [0], [0], [1], [0, 0, 1, 1], [], []>, transpose_lhs_hint = false} : vector<512x64xf32>, vector<64x8192xf32>, vector<512x8192xf32> -> vector<512x8192xf32>
    %get3A_6 = arith.constant 0 : index
    %get3A_7 = arith.constant 0 : index
    %get3A_8 = vector.load %arg1[%get3A_6, %get3A_7] : memref<512x1xf32, #tpu.memory_space<vmem>>, vector<512x1xf32>
    %get3A_9 = arith.constant 0 : index
    %get3A_10 = arith.constant 0 : index
    %get3A_11 = vector.load %arg2[%get3A_9, %get3A_10] : memref<1x8192xf32, #tpu.memory_space<vmem>>, vector<1x8192xf32>
    %add3A = vector.broadcast %get3A_8 : vector<512x1xf32> to vector<512x8192xf32>
    %add3A_12 = vector.broadcast %get3A_11 : vector<1x8192xf32> to vector<512x8192xf32>
    %add3A_13 = arith.addf %add3A, %add3A_12 : vector<512x8192xf32>
    %add3A_14 = arith.addf %add3A_13, %dot_general3A_5 : vector<512x8192xf32>
    %rsqrt3A = math.rsqrt %add3A_14 : vector<512x8192xf32>
    %mul3A = arith.mulf %add3A_14, %rsqrt3A : vector<512x8192xf32>
    %slice3A = vector.extract_strided_slice %mul3A {offsets = [0, 0], sizes = [512, 4096], strides = [1, 1]} : vector<512x8192xf32> to vector<512x4096xf32>
    %slice3A_15 = vector.extract_strided_slice %mul3A {offsets = [0, 4096], sizes = [512, 4096], strides = [1, 1]} : vector<512x8192xf32> to vector<512x4096xf32>
    %reduce_min3A = arith.constant dense<0x7F800000> : vector<512xf32>
    %reduce_min3A_16 = vector.multi_reduction <minimumf>, %slice3A, %reduce_min3A [1] : vector<512x4096xf32> to vector<512xf32>
    %broadcast_in_dim3A = vector.shape_cast %reduce_min3A_16 : vector<512xf32> to vector<512x1xf32>
    %reduce_min3A_17 = arith.constant dense<0x7F800000> : vector<512xf32>
    %reduce_min3A_18 = vector.multi_reduction <minimumf>, %slice3A_15, %reduce_min3A_17 [1] : vector<512x4096xf32> to vector<512xf32>
    %broadcast_in_dim3A_19 = vector.shape_cast %reduce_min3A_18 : vector<512xf32> to vector<512x1xf32>
    %iota3A = tpu.iota {dimensions = array<i32: 1>} : vector<512x4096xi32>
    %eq3A = vector.broadcast %broadcast_in_dim3A : vector<512x1xf32> to vector<512x4096xf32>
    %eq3A_20 = arith.cmpf oeq, %slice3A, %eq3A : vector<512x4096xf32>
    %jit3A = arith.constant 8192 : i32
    %broadcast_in_dim3A_21 = vector.broadcast %jit3A : i32 to vector<512x4096xi32>
    %select_n3A = arith.select %eq3A_20, %iota3A, %broadcast_in_dim3A_21 : vector<512x4096xi1>, vector<512x4096xi32>
    %reduce_min3A_22 = arith.constant dense<2147483647> : vector<512xi32>
    %reduce_min3A_23 = vector.multi_reduction <minsi>, %select_n3A, %reduce_min3A_22 [1] : vector<512x4096xi32> to vector<512xi32>
    %eq3A_24 = vector.broadcast %broadcast_in_dim3A_19 : vector<512x1xf32> to vector<512x4096xf32>
    %eq3A_25 = arith.cmpf oeq, %slice3A_15, %eq3A_24 : vector<512x4096xf32>
    %jit3A_26 = arith.constant 8192 : i32
    %broadcast_in_dim3A_27 = vector.broadcast %jit3A_26 : i32 to vector<512x4096xi32>
    %select_n3A_28 = arith.select %eq3A_25, %iota3A, %broadcast_in_dim3A_27 : vector<512x4096xi1>, vector<512x4096xi32>
    %reduce_min3A_29 = arith.constant dense<2147483647> : vector<512xi32>
    %reduce_min3A_30 = vector.multi_reduction <minsi>, %select_n3A_28, %reduce_min3A_29 [1] : vector<512x4096xi32> to vector<512xi32>
    %add3A_31 = arith.constant 4096 : i32
    %add3A_32 = vector.broadcast %add3A_31 : i32 to vector<512xi32>
    %add3A_33 = arith.addi %reduce_min3A_30, %add3A_32 : vector<512xi32>
    %squeeze3A = vector.shape_cast %broadcast_in_dim3A : vector<512x1xf32> to vector<512xf32>
    %convert_element_type3A = arith.truncf %squeeze3A : vector<512xf32> to vector<512xbf16>
    %convert_element_type3A_34 = arith.extf %convert_element_type3A : vector<512xbf16> to vector<512xf32>
    %squeeze3A_35 = vector.shape_cast %broadcast_in_dim3A_19 : vector<512x1xf32> to vector<512xf32>
    %lt3A = arith.cmpf olt, %squeeze3A_35, %convert_element_type3A_34 : vector<512xf32>
    %select_n3A_36 = arith.select %lt3A, %add3A_33, %reduce_min3A_23 : vector<512xi1>, vector<512xi32>
    %swap3A = arith.constant 0 : index
    %swap3A_37 = vector.load %arg5[%swap3A] : memref<512xi32, #tpu.memory_space<vmem>>, vector<512xi32>
    tpu.vector_store %arg5[%swap3A], %select_n3A_36 {strides = array<i32>} : memref<512xi32, #tpu.memory_space<vmem>>, vector<512xi32>,
    %squeeze3A_38 = vector.shape_cast %broadcast_in_dim3A_19 : vector<512x1xf32> to vector<512xf32>
    %squeeze3A_39 = vector.shape_cast %broadcast_in_dim3A : vector<512x1xf32> to vector<512xf32>
    %select_n3A_40 = arith.select %lt3A, %squeeze3A_38, %squeeze3A_39 : vector<512xi1>, vector<512xf32>
    %mul3A_41 = arith.mulf %select_n3A_40, %select_n3A_40 : vector<512xf32>
    %reduce_sum3A = vector.shape_cast %mul3A_41 : vector<512xf32> to vector<1x512xf32>
    %reduce_sum3A_42 = arith.constant dense<0.000000e+00> : vector<1xf32>
    %reduce_sum3A_43 = vector.multi_reduction <add>, %reduce_sum3A, %reduce_sum3A_42 [1] : vector<1x512xf32> to vector<1xf32>
    %reduce_sum3A_44 = vector.shape_cast %reduce_sum3A_43 : vector<1xf32> to vector<1x1xf32>
    %reduce_sum3A_45 = vector.extract %reduce_sum3A_44[0, 0] : f32 from vector<1x1xf32>
    %eq3A_46 = arith.constant 0 : i32
    %eq3A_47 = arith.cmpi eq, %arg0, %eq3A_46 : i32
    %convert_element_type3A_48 = arith.extui %eq3A_47 : i1 to i32
    %cond3A = arith.constant 0 : i32
    %cond3A_49 = arith.cmpi ne, %convert_element_type3A_48, %cond3A : i32
    scf.if %cond3A_49 {
      %swap3A_60 = arith.constant 0.000000e+00 : f32
      %swap3A_61 = arith.constant 0 : index
      %swap3A_62 = memref.load %arg7[%swap3A_61] : memref<1xf32, #tpu.memory_space<smem>>
      memref.store %swap3A_60, %arg7[%swap3A_61] : memref<1xf32, #tpu.memory_space<smem>>
    } else {
    }
    %get3A_50 = arith.constant 0 : index
    %get3A_51 = memref.load %arg7[%get3A_50] : memref<1xf32, #tpu.memory_space<smem>>
    %add3A_52 = arith.addf %get3A_51, %reduce_sum3A_45 : f32
    %swap3A_53 = arith.constant 0 : index
    %swap3A_54 = memref.load %arg7[%swap3A_53] : memref<1xf32, #tpu.memory_space<smem>>
    memref.store %add3A_52, %arg7[%swap3A_53] : memref<1xf32, #tpu.memory_space<smem>>
    %eq3A_55 = arith.constant 31 : i32
    %eq3A_56 = arith.cmpi eq, %arg0, %eq3A_55 : i32
    %convert_element_type3A_57 = arith.extui %eq3A_56 : i1 to i32
    %cond3A_58 = arith.constant 0 : i32
    %cond3A_59 = arith.cmpi ne, %convert_element_type3A_57, %cond3A_58 : i32
    scf.if %cond3A_59 {
      %get3A_60 = arith.constant 0 : index
      %get3A_61 = memref.load %arg7[%get3A_60] : memref<1xf32, #tpu.memory_space<smem>>
      %div3A = arith.constant 0x49800000 : f32
      %div3A_62 = arith.divf %get3A_61, %div3A : f32
      %broadcast_in_dim3A_63 = vector.broadcast %div3A_62 : f32 to vector<1x1xf32>
      %swap3A_64 = arith.constant 0 : index
      %swap3A_65 = arith.constant 0 : index
      %swap3A_66 = vector.load %arg6[%swap3A_64, %swap3A_65] : memref<1x1xf32, #tpu.memory_space<vmem>>, vector<1x1xf32>
      tpu.vector_store %arg6[%swap3A_64, %swap3A_65], %broadcast_in_dim3A_63 {strides = array<i32>} : memref<1x1xf32, #tpu.memory_space<vmem>>, vector<1x1xf32>,
    } else {
    }
    return
  }
  func.func @transform_0(%arg0: i32) -> (i32, i32) {
    %c0_i32 = arith.constant 0 : i32
    %c0_i32_0 = arith.constant 0 : i32
    return %arg0, %c0_i32 : i32, i32
  }
  func.func @transform_1(%arg0: i32) -> (i32, i32) {
    %c0_i32 = arith.constant 0 : i32
    %c0_i32_0 = arith.constant 0 : i32
    %c0_i32_1 = arith.constant 0 : i32
    return %c0_i32, %c0_i32_0 : i32, i32
  }
  func.func @transform_2(%arg0: i32) -> (i32, i32) {
    %c0_i32 = arith.constant 0 : i32
    %c0_i32_0 = arith.constant 0 : i32
    return %arg0, %c0_i32 : i32, i32
  }
  func.func @transform_3(%arg0: i32) -> (i32, i32) {
    %c0_i32 = arith.constant 0 : i32
    %c0_i32_0 = arith.constant 0 : i32
    %c0_i32_1 = arith.constant 0 : i32
    return %c0_i32, %c0_i32_0 : i32, i32
  }
  func.func @transform_4(%arg0: i32) -> i32 {
    %c0_i32 = arith.constant 0 : i32
    return %arg0 : i32
  }
  func.func @transform_5(%arg0: i32) -> (i32, i32) {
    %c0_i32 = arith.constant 0 : i32
    %c0_i32_0 = arith.constant 0 : i32
    %c0_i32_1 = arith.constant 0 : i32
    return %c0_i32, %c0_i32_0 : i32, i32
  }
}

</mosaic_0001>

<sc_bundles>
// kernel: kernel.4.cloned.1.call-start
scs
__scs_entry_jumppad:
0x0: {  	(pc) =	sbr.rel $0x88, $3  }
0x1: {  	(tag) =	ssettag $0x0;
	lr =	simm.s32 $0x1  }
0x2: {  	[smem:$0x3F9F] =	sst lr;
	_ =	strace $0xD0000000  }
0x3: {  	_ = 	snop  }
0x4: {  	_ = 	snop  }
0x5: {  	_ = 	snop  }
0x6: {  	_ = 	snop  }
0x7: {  	_ = 	snop  }
__scs_overlays_trampoline_lowered:
0x8: {  	[smem:$0x3FAE] =	sst s0  }
0x9: {  	[smem:$0x3FAF] =	sst s1  }
0xa: {  	[smem:$0x3FB0] =	sst s2  }
0xb: {  	[smem:$0x3FB1] =	sst s3  }
0xc: {  	[smem:$0x3FB2] =	sst s4  }
0xd: {  	[smem:$0x3FB3] =	sst s5  }
0xe: {  	[smem:$0x3FB4] =	sst s6  }
0xf: {  	[smem:$0x3FB5] =	sst s7  }
0x10: {  	[smem:$0x3FB6] =	sst s8  }
0x11: {  	[smem:$0x3FB7] =	sst s9;
	s0 =	simm.s32 @!p0 $0x0  }
0x12: {  	s1 =	sld [smem:$0x3F9D];
	s0 =	simm.s32 @p0 $0x1  }
0x13: {  	[smem:$0x3FB8] =	sst s0;
	s0 =	simm.s32 @!p1 $0x0  }
0x14: {  	s2 =	sld [smem:$0x3F9C];
	s0 =	simm.s32 @p1 $0x1  }
0x15: {  	[smem:$0x3FB9] =	sst s0;
	s0 =	simm.s32 @!p2 $0x0  }
0x16: {  	s3 =	sld [smem:$0x3FDB];
	s0 =	simm.s32 @p2 $0x1  }
0x17: {  	s4 =	simm.s32 $0x1BF5;
	[smem:$0x3FBB] =	sst s0  }
0x18: {  	s0 =	sld [smem:$0x3F9E];
	_ =	swait.ge [sflag:s4], $0x0  }
0x19: {  	s7 =	sld [smem:$0x3F9F]  }
0x1a: {  	s8 =	sadd.s32 $0xFFFFE003, lr  }
0x1b: {  	s9 =	sadd.s32 $0xFFFFFEF7, lr;
	s5 =	simm.s32 $0xFFFFFFFF;
	p2 =	slt.u32 s8, $0xFFFFF086  }
0x1c: {  	p1 =	slt.u32 s9, $0xF7A;
	s5 =	simm.s32 @!p2 $0x0  }
0x1d: {  	s5 =	simm.s32 @p1 $0x1;
	p0 =	seq.s32 s7, s2  }
0x1e: {  	s7 =	smul.u32 @!p0 $0xF7A, s2;
	p2 =	seq.s32 @!p0 s5, $0x0  }
0x1f: {  	s9 =	smul.u32 $0xF7A, s1;
	s8 =	simm.s32 @!p0 $0x1BF5;
	p2 =	por !p2, p0  }
0x20: {  	[sflag:s8] =	ssyncset.s32 @!p0 $0xFFFFF086;
	s6 =	sadd.s32 @!p0 s3, s7;
	s7 =	simm.s32 @!p0 $0x108  }
0x21: {  	s3 =	sadd.s32 s3, s9;
	s6 =	sadd.s32 @!p0 $0x88, s6;
	s7 =	simm.s32 @p2 $0x1082  }
0x22: {  	[simem:s7], [sflag:s8] =	dma.local @!p0 [hbm:s6], $0xF7A  }
0x23: {  	s9 =	sor.u32 $0xD0000000, s2;
	s6 =	simm.s32 $0x108;
	_ =	swait.ge @!p0 [sflag:s8], $0x0  }
0x24: {  	s3 =	sadd.s32 $0x88, s3;
	s6 =	simm.s32 @!p1 $0x1082;
	[sflag:s4] =	ssyncset.s32 $0xFFFFF086  }
0x25: {  	[simem:s6], [sflag:s4] =	dma.local [hbm:s3], $0xF7A  }
0x26: {  	[smem:$0x3F9F] =	sst s1;
	(tag) =	ssettag s2;
	_ =	strace s9  }
0x27: {  	s1 =	sld [smem:$0x3FAF]  }
0x28: {  	s2 =	sld [smem:$0x3FB0]  }
0x29: {  	s4 =	sld [smem:$0x3FB2]  }
0x2a: {  	p0 =	seq.s32 s5, $0x0;
	s5 =	sld [smem:$0x3FB3]  }
0x2b: {  	s6 =	sld [smem:$0x3FB4]  }
0x2c: {  	s7 =	sld [smem:$0x3FB5]  }
0x2d: {  	s3 =	simm.s32 $0x108;
	s8 =	sld [smem:$0x3FB6]  }
0x2e: {  	s3 =	simm.s32 @!p0 $0x1082;
	s9 =	sld [smem:$0x3FB7]  }
0x2f: {  	lr =	sadd.s32 s0, s3;
	s0 =	sld [smem:$0x3FAE]  }
0x30: {  	s3 =	sld [smem:$0x3FB1]  }
0x31: {  	[smem:$0x3FBA] =	sst s10  }
0x32: {  	s10 =	sld [smem:$0x3FB8];
	_ =	sdelay $0x3  }
0x33: {  	p0 =	seq.s32 s10, $0x1;
	s10 =	sld [smem:$0x3FBA];
	_ =	sdelay $0x3  }
0x34: {  	[smem:$0x3FBA] =	sst s10  }
0x35: {  	s10 =	sld [smem:$0x3FB9];
	_ =	sdelay $0x3  }
0x36: {  	p1 =	seq.s32 s10, $0x1;
	s10 =	sld [smem:$0x3FBA];
	_ =	sdelay $0x3  }
0x37: {  	[smem:$0x3FBA] =	sst s10  }
0x38: {  	s10 =	sld [smem:$0x3FBB]  }
0x39: {  	_ = 	snop;
	(pc) =	sbr.ind lr, $3  }
0x3a: {  	_ = 	snop  }
0x3b: {  	_ = 	snop  }
0x3c: {  	p2 =	seq.s32 s10, $0x1;
	s10 =	sld [smem:$0x3FBA]  }
0x3d: {  	_ =	shalt  }
0x3e: {  	_ =	shalt  }
0x3f: {  	_ =	shalt  }
0x40: {  	_ =	shalt  }
0x41: {  	_ =	shalt  }
0x42: {  	_ =	shalt  }
0x43: {  	_ =	shalt  }
0x44: {  	_ =	shalt  }
0x45: {  	_ =	shalt  }
0x46: {  	_ =	shalt  }
0x47: {  	_ =	shalt  }
0x48: {  	_ =	shalt  }
0x49: {  	_ =	shalt  }
0x4a: {  	_ =	shalt  }
0x4b: {  	_ =	shalt  }
0x4c: {  	_ =	shalt  }
0x4d: {  	_ =	shalt  }
0x4e: {  	_ =	shalt  }
0x4f: {  	_ =	shalt  }
0x50: {  	_ =	shalt  }
0x51: {  	_ =	shalt  }
0x52: {  	_ =	shalt  }
0x53: {  	_ =	shalt  }
0x54: {  	_ =	shalt  }
0x55: {  	_ =	shalt  }
0x56: {  	_ =	shalt  }
0x57: {  	_ =	shalt  }
0x58: {  	_ =	shalt  }
0x59: {  	_ =	shalt  }
0x5a: {  	_ =	shalt  }
0x5b: {  	_ =	shalt  }
0x5c: {  	_ =	shalt  }
0x5d: {  	_ =	shalt  }
0x5e: {  	_ =	shalt  }
0x5f: {  	_ =	shalt  }
0x60: {  	_ =	shalt  }
0x61: {  	_ =	shalt  }
0x62: {  	_ =	shalt  }
0x63: {  	_ =	shalt  }
0x64: {  	_ =	shalt  }
0x65: {  	_ =	shalt  }
0x66: {  	_ =	shalt  }
0x67: {  	_ =	shalt  }
0x68: {  	_ =	shalt  }
0x69: {  	_ =	shalt  }
0x6a: {  	_ =	shalt  }
0x6b: {  	_ =	shalt  }
0x6c: {  	_ =	shalt  }
0x6d: {  	_ =	shalt  }
0x6e: {  	_ =	shalt  }
0x6f: {  	_ =	shalt  }
0x70: {  	_ =	shalt  }
0x71: {  	_ =	shalt  }
0x72: {  	_ =	shalt  }
0x73: {  	_ =	shalt  }
0x74: {  	_ =	shalt  }
0x75: {  	_ =	shalt  }
0x76: {  	_ =	shalt  }
0x77: {  	_ =	shalt  }
0x78: {  	_ =	shalt  }
0x79: {  	_ =	shalt  }
0x7a: {  	_ =	shalt  }
0x7b: {  	_ =	shalt  }
0x7c: {  	_ =	shalt  }
0x7d: {  	_ =	shalt  }
0x7e: {  	_ =	shalt  }
0x7f: {  	_ =	shalt  }
0x80: {  	_ =	shalt  }
0x81: {  	_ =	shalt  }
0x82: {  	_ =	shalt  }
0x83: {  	_ =	shalt  }
0x84: {  	_ =	shalt  }
0x85: {  	_ =	shalt  }
0x86: {  	_ =	shalt  }
0x87: {  	_ =	shalt  }
.Lfunc_end0:
.L_simem_size_0:
called_computation_lowered:
.L_overlay_start_0:
0x88: {  	s2 =	sld [smem:$0x3FD9]  }
0x89: {  	s3 =	sld [smem:$0x3FFE];
	_ =	sdelay $0x1  }
0x8a: {  	s1 =	srdreg.scid  }
0x8b: {  	s0 =	sand.u32 $0x1, s1  }
0x8c: {  	s14 =	sshll.u32 s0, $0xA;
	s2 =	sadd.s32 s3, s2  }
0x8d: {  	s2 =	sadd.s32 s2, s14  }
0x8e: {  	[smem:$0x3FC6] =	sst s2  }
0x8f: {  	_ = 	snop  }
0x90: {  	s2 =	sld [smem:$0x3FD0];
	_ =	sdelay $0x2  }
0x91: {  	s15 =	simm.s32 $0xA;
	s4 =	simm.s32 $0x10  }
0x92: {  	[smem:s4], [sflag:s15] =	dma.local [hbm:s2], $0x1  }
0x93: {  	_ =	swait.eq [sflag:s15], $0x1  }
0x94: {  	[sflag:s15] =	ssyncset.done $0x0  }
0x95: {  	s16 =	sld [smem:$0x10];
	[sflag:s15] =	ssyncadd.s32 $0xFFFFFFFF  }
0x96: {  	s17 =	sld [smem:$0x13];
	(tm) =	ssettm $0x1  }
0x97: {  	s18 =	sld [smem:$0x3FFB];
	_ =	sdelay $0x3  }
0x98: {  	_ =	strace s18  }
0x99: {  	s4 =	sld [smem:$0x3FFC];
	_ =	sdelay $0x3  }
0x9a: {  	_ =	strace s4  }
0x9b: {  	s4 =	sld [smem:$0x3FFD];
	_ =	sdelay $0x3  }
0x9c: {  	_ =	strace s4  }
0x9d: {  	_ =	strace $0x8FFFFFFF  }
0x9e: {  	s19 =	sld [smem:$0x3FDB];
	_ =	sdelay $0x1  }
0x9f: {  	s5 =	simm.s32 $_scs_section_size  }
0xa0: {  	s6 =	simm.s32 $_size__tile_overlayer_lowered;
	s7 =	simm.s32 $_tile_overlayer_lowered  }
0xa1: {  	s22 =	simm.s32 $0x1BFF;
	s21 =	sshll.u32 s7, $0x1;
	s4 =	sadd.s32 s5, s19  }
0xa2: {  	s8 =	simm.s32 $0x0;
	s20 =	sshll.u32 s6, $0x1;
	s6 =	sadd.s32 s21, s4  }
0xa3: {  	[timem:s8], [sflag:s22] =	dma.local [hbm:s6], s20  }
0xa4: {  	_ =	swait.ge [sflag:s22], s20  }
0xa5: {  	s5 =	ssub.s32 $0x0, s20;
	[sflag:s22] =	ssyncset.done $0x0  }
0xa6: {  	[sflag:s22] =	ssyncadd.s32 s5;
	_ =	sdelay $0x1  }
0xa7: {  	s23 =	simm.s32 $0x1B8B  }
0xa8: {  	_ =	swait.ge [sflag:s23], $0x1  }
0xa9: {  	[sflag:s23] =	ssyncset.done $0x0  }
0xaa: {  	s25 =	simm.s32 $0x1B8E;
	s24 =	sld [smem:$0x3FFE];
	[sflag:s23] =	ssyncadd.s32 $0xFFFFFFFF  }
0xab: {  	s26 =	simm.s32 $execute0_lowered;
	[smem:$0x3FD2] =	sst s25  }
0xac: {  	s6 =	sshll.u32 s26, $0x1;
	_ =	strace $0x80000046;
	[dreg:$0x1] =	wrdreg $0xFFFFFFFF  }
0xad: {  	s28 =	simm.s32 $_size_execute0_lowered;
	s4 =	sadd.s32 s4, s6;
	[dreg:$0x0] =	wrdreg $0x0  }
0xae: {  	s6 =	sshll.u32 s28, $0x1;
	[dreg:$0x2] =	wrdreg s4  }
0xaf: {  	[dreg:$0x3] =	wrdreg s6  }
0xb0: {  	[dreg:$0x4] =	wrdreg $0xC0  }
0xb1: {  	_ =	task [dreg:s8], $0x5FFFF  }
0xb2: {  	[dreg:$0x1] =	wrdreg $0xFFFFFFFF  }
0xb3: {  	[dreg:$0x0] =	wrdreg $0x60  }
0xb4: {  	[dreg:$0x2] =	wrdreg s24  }
0xb5: {  	[dreg:$0x3] =	wrdreg s17  }
0xb6: {  	[dreg:$0x4] =	wrdreg s16  }
0xb7: {  	[dreg:$0x5] =	wrdreg $0x9  }
0xb8: {  	_ =	task.clear_ibuf [dreg:s8], $0x6FFFF;
	_ =	strace $0x90000046  }
0xb9: {  	s29 =	simm.s32 $0x9;
	_ =	strace $0x80000048  }
0xba: {  	_ =	swait.ge [sflag:s29], $0x1  }
0xbb: {  	[sflag:s29] =	ssyncadd.s32 $0xFFFFFFFF  }
0xbc: {  	_ =	strace $0x90000048  }
0xbd: {  	_ =	sfence  }
0xbe: {  	s30 =	sld [smem:$0x0];
	_ =	sdelay $0x2  }
0xbf: {  	s31 =	sshll.u32 s1, $0xD;
	s1 =	sshrl.u32 s1, $0x2  }
0xc0: {  	s3 =	sand.u32 $0x4000, s31;
	s1 =	sadd.s32 s1, s30  }
0xc1: {  	s0 =	sor.u32 s3, s0;
	s1 =	sshll.u32 s1, $0x11  }
0xc2: {  	s0 =	sor.u32 s1, s0  }
0xc3: {  	s0 =	sadd.s32 $0x8F2B, s0  }
0xc4: {  	[sflag:s0] =	ssyncadd.remote.s32 $0x1  }
0xc5: {  	_ =	sfence.sel $0xFFFF  }
0xc6: {  	[dreg:$0x0] =	wrdreg $0xFFFFFFFF;
	(pc) =	sbr.abs _section_cstart, $3  }
0xc7: {  	[dreg:$0x1] =	wrdreg $0xFFFFFFFF  }
0xc8: {  	_ =	task.clear_ibuf [dreg:s8], $0x2FFFF;
	_ =	strace $0x9FFFFFFF  }
0xc9: {  	(tm) =	ssettm $0x7FFFFFFF  }
tec
execute0_lowered:
.L_overlay_start_1:
0x0: {  	(tag) =	ssettag $0x1  }
0x1: {  	s5 =	rddreg [dreg:$0x0]  }
0x2: {  	s3 =	rddreg [dreg:$0x1]  }
0x3: {  	s1 =	srdreg.scid;
	s0 =	stileid.u32  }
0x4: {  	s14 =	rddreg [dreg:$0x2];
	s15 =	sand.u32 $0x1, s1;
	s4 =	sshll.u32 s0, $0x1  }
0x5: {  	s2 =	simm.s32 $0x0;
	s1 =	rddreg [dreg:$0x3];
	s16 =	sor.u32 s15, s4  }
0x6: {  	[smem:$0x7FF] =	sst s2;
	s4 =	sshll.u32 s16, $0x6  }
0x7: {  	_ =	strace $0x80000047;
	s4 =	sadd.s32 s3, s4;
	s3 =	simm.s32 $0x2  }
0x8: {  	[tilespmem:s2], [sflag:$0x2] =	stream.linear.gather [hbm4b:s4+s2], $0x200, $0x38;
	[tilespmem:$0x8200] =	vst v63  }
0x9: {  	_ =	swait.ge [sflag:s3], $0x200  }
0xa: {  	s6 =	simm.s32 $0x80;
	[sflag:s3] =	ssyncset.done $0x0  }
0xb: {  	s7 =	simm.s32 $0x200;
	s5 =	sadd.s32 $0x200, s5;
	[sflag:s3] =	ssyncadd.s32 $0xFFFFFE00  }
0xc: {  	[tilespmem:s7], [sflag:$0x1] =	stream.indirect.gather [hbm4b:s5+s6], $0x40, s2, s6, $0xb8;
	[tilespmem:$0x8200] =	vst v63  }
0xd: {  	s8 =	simm.s32 $0x2200  }
0xe: {  	[tilespmem:s8], [sflag:$0x1] =	stream.indirect.gather [hbm4b:s5+s6], $0x40, s6, s6, $0xb8;
	[tilespmem:$0x8200] =	vst v63  }
0xf: {  	s9 =	simm.s32 $0x100;
	s10 =	simm.s32 $0x4200  }
0x10: {  	[tilespmem:s10], [sflag:$0x1] =	stream.indirect.gather [hbm4b:s5+s6], $0x40, s9, s6, $0xb8;
	[tilespmem:$0x8200] =	vst v63  }
0x11: {  	s11 =	simm.s32 $0x180;
	s12 =	simm.s32 $0x6200;
	s13 =	simm.s32 $0x1  }
0x12: {  	[tilespmem:s12], [sflag:$0x1] =	stream.indirect.gather [hbm4b:s5+s6], $0x40, s11, s6, $0xb8;
	[tilespmem:$0x8200] =	vst v63  }
0x13: {  	_ =	swait.ge [sflag:s13], $0x2000  }
0x14: {  	[sflag:s13] =	ssyncset.done $0x0  }
0x15: {  	[sflag:s13] =	ssyncadd.s32 $0xFFFFE000  }
0x16: {  	_ =	swait.ge [sflag:s13], $0x2000  }
0x17: {  	[sflag:s13] =	ssyncset.done $0x0  }
0x18: {  	s15 =	ssub.s32 $0x2, s15;
	[sflag:s13] =	ssyncadd.s32 $0xFFFFE000  }
0x19: {  	s17 =	sshrl.u32 s15, $0x1;
	_ =	swait.ge [sflag:s13], $0x2000  }
0x1a: {  	s15 =	ssub.s32 s15, s17;
	[sflag:s13] =	ssyncset.done $0x0  }
0x1b: {  	s15 =	smax.u32 s15, $0x1;
	[sflag:s13] =	ssyncadd.s32 $0xFFFFE000  }
0x1c: {  	p0 =	sne.s32 s15, $0x1;
	_ =	swait.ge [sflag:s13], $0x2000  }
.Ltmp0:
0x1d: {  	s16 =	sshll.u32 s16, $0xC;
	[sflag:s13] =	ssyncset.done $0x0;
	(pc) =	sbr.rel @!p0 .LBB2_2-.Ltmp0, $4  }
0x1e: {  	s14 =	sadd.s32 s14, s16;
	[sflag:s13] =	ssyncadd.s32 $0xFFFFE000  }
0x1f: {  	[hbm4b:s14+s2] =	stream.linear.scatter [tilespmem:s7], [sflag:$0x2], $0x8000, $0x38;
	[tilespmem:$0x8200] =	vst v63  }
0x20: {  	_ =	swait.ge [sflag:s3], $0x8000  }
0x21: {  	s15 =	sadd.s32 $0xFFFFFFFF, s15;
	[sflag:s3] =	ssyncset.done $0x0  }
.LBB2_1:
0x22: {  	p0 =	sne.s32 s15, $0x1;
	s15 =	sadd.s32 $0xFFFFFFFF, s15;
	[sflag:s3] =	ssyncadd.s32 $0xFFFF8000  }
0x23: {  	[tilespmem:s2], [sflag:$0x2] =	stream.linear.gather [hbm4b:s4+s2], $0x200, $0x38;
	[tilespmem:$0x8200] =	vst v63  }
0x24: {  	_ =	swait.ge [sflag:s3], $0x200  }
0x25: {  	[sflag:s3] =	ssyncset.done $0x0  }
0x26: {  	[sflag:s3] =	ssyncadd.s32 $0xFFFFFE00  }
0x27: {  	[tilespmem:s7], [sflag:$0x1] =	stream.indirect.gather [hbm4b:s5+s6], $0x40, s2, s6, $0xb8;
	[tilespmem:$0x8200] =	vst v63  }
0x28: {  	_ = 	snop  }
0x29: {  	[tilespmem:s8], [sflag:$0x1] =	stream.indirect.gather [hbm4b:s5+s6], $0x40, s6, s6, $0xb8;
	[tilespmem:$0x8200] =	vst v63  }
0x2a: {  	_ = 	snop  }
0x2b: {  	[tilespmem:s10], [sflag:$0x1] =	stream.indirect.gather [hbm4b:s5+s6], $0x40, s9, s6, $0xb8;
	[tilespmem:$0x8200] =	vst v63  }
0x2c: {  	_ = 	snop  }
0x2d: {  	[tilespmem:s12], [sflag:$0x1] =	stream.indirect.gather [hbm4b:s5+s6], $0x40, s11, s6, $0xb8;
	[tilespmem:$0x8200] =	vst v63  }
0x2e: {  	_ =	swait.ge [sflag:s13], $0x2000  }
0x2f: {  	[sflag:s13] =	ssyncset.done $0x0  }
0x30: {  	[sflag:s13] =	ssyncadd.s32 $0xFFFFE000  }
0x31: {  	_ =	swait.ge [sflag:s13], $0x2000  }
0x32: {  	[sflag:s13] =	ssyncset.done $0x0  }
0x33: {  	[sflag:s13] =	ssyncadd.s32 $0xFFFFE000  }
0x34: {  	_ =	swait.ge [sflag:s13], $0x2000  }
0x35: {  	[sflag:s13] =	ssyncset.done $0x0  }
0x36: {  	[sflag:s13] =	ssyncadd.s32 $0xFFFFE000  }
0x37: {  	_ =	swait.ge [sflag:s13], $0x2000  }
.Ltmp1:
0x38: {  	[sflag:s13] =	ssyncset.done $0x0;
	(pc) =	sbr.rel @p0 .LBB2_1-.Ltmp1, $4  }
0x39: {  	[sflag:s13] =	ssyncadd.s32 $0xFFFFE000  }
0x3a: {  	[hbm4b:s14+s2] =	stream.linear.scatter [tilespmem:s7], [sflag:$0x2], $0x8000, $0x38;
	[tilespmem:$0x8200] =	vst v63  }
0x3b: {  	_ =	swait.ge [sflag:s3], $0x8000  }
0x3c: {  	[sflag:s3] =	ssyncset.done $0x0  }
.LBB2_2:
0x3d: {  	[sflag:s3] =	ssyncadd.s32 $0xFFFF8000  }
0x3e: {  	_ =	sfence.sel $0x180000  }
0x3f: {  	[bflag:$0x0] =	sbarrier.arrive $0xFFFF  }
0x40: {  	p0 =	sne.s32 s0, $0x0;
	_ =	strace $0x90000047  }
0x41: {  	s0 =	sadd.s32 @!p0 $0x100000, s1;
	[bflag:$0x2] =	sbarrier.arrive $0xFFFF  }
0x42: {  	[sflag:s0] =	ssyncadd.tile.s32 @!p0 $0x1;
	_ =	shalt  }
.Lfunc_end2:
_tile_overlayer_lowered:
.L_overlay_start_2:
0x43: {  	(tag) =	ssettag $0x2  }
0x44: {  	s0 =	rddreg [dreg:$0x0];
	s2 =	stileid.u32  }
0x45: {  	s1 =	rddreg [dreg:$0x1];
	p0 =	sne.s32 s2, $0x0  }
0x46: {  	s3 =	rddreg [dreg:$0x2];
	[bflag:$0x3] =	sbarrier.arrive $0xFFFF;
	s2 =	simm.s32 @!p0 $0x1C02  }
0x47: {  	[timem:s3], [sflag:s2] =	dma.local @!p0 [hbm:s0], s1  }
0x48: {  	s0 =	simm.s32 @!p0 $0x2  }
0x49: {  	_ =	swait.ge @!p0 [sflag:s0], s1  }
0x4a: {  	s1 =	ssub.s32 @!p0 $0x0, s1;
	[sflag:s0] =	ssyncset.done @!p0 $0x0  }
0x4b: {  	[sflag:s0] =	ssyncadd.s32 @!p0 s1  }
0x4c: {  	[bflag:$0x3] =	sbarrier.arrive $0xFFFF  }
0x4d: {  	_ =	shalt  }

</sc_bundles>
